<compile_context>
chip_gen: v7x
topology: tpu7x:2x2x1
jax: 0.10.2.dev20260603
libtpu: 0.0.44.dev20260713+nightly
codegen_flags: <defaults>
</compile_context>

<pallas_src>
import functools

import jax
import jax.numpy as jnp
from jax import lax
from jax.experimental import pallas as pl
from jax.experimental.pallas import tpu as pltpu
from jax.experimental.pallas import tpu_sc as plsc

B, L, F, N, DN, DG, H, A = 32, 50, 32, 10000, 128, 64, 128, 32
LANES = 16
NW = 32
Q = B * L
QPAD = 2048
QPW = QPAD // NW


CPW = 640
TAIL = N - 15 * CPW


def _sc_gather(node_ids, qids, feat3):
    mesh = plsc.VectorSubcoreMesh(core_axis_name="c", subcore_axis_name="s")

    @functools.partial(
        pl.kernel,
        out_type=jax.ShapeDtypeStruct((Q, 2, DN // 2), jnp.float32),
        mesh=mesh,
        scratch_types=[
            pltpu.VMEM((CPW,), jnp.int32),
            pltpu.VMEM((CPW,), jnp.int32),
            pltpu.VMEM((TAIL,), jnp.int32),
            pltpu.VMEM((TAIL,), jnp.int32),
            pltpu.VMEM((QPW,), jnp.int32),
            pltpu.VMEM((QPW,), jnp.int32),
            pltpu.VMEM((QPW, DN // 2), jnp.float32),
            pltpu.VMEM_SHARED((N,), jnp.int32),
            pltpu.VMEM_SHARED((N, DN // 2), jnp.float32),
            pltpu.SemaphoreType.DMA,
            pltpu.SemaphoreType.DMA,
        ],
        compiler_params=pltpu.CompilerParams(needs_layout_passes=False),
    )
    def k(nid_hbm, qid_hbm, feat_hbm, out_hbm,
          ids_v, vals_v, idt_v, valt_v, q_v, pos_v, rows_v, inv_s, feat_s,
          sem, fsem):
        c = lax.axis_index("c")
        s = lax.axis_index("s")
        wid = s * 2 + c
        @pl.when(s < 10)
        def _():
            pltpu.async_copy(feat_hbm.at[pl.ds(s * 1000, 1000), c],
                             feat_s.at[pl.ds(s * 1000, 1000)], fsem)
        @pl.when(s < 15)
        def _():
            pltpu.sync_copy(nid_hbm.at[pl.ds(s * CPW, CPW)], ids_v)
            @plsc.parallel_loop(0, CPW // LANES, unroll=4)
            def _w(j):
                vals_v[pl.ds(j * LANES, LANES)] = (
                    lax.iota(jnp.int32, LANES) + (s * CPW + j * LANES))
            pltpu.sync_copy(vals_v, inv_s.at[ids_v])
        @pl.when(s == 15)
        def _():
            pltpu.sync_copy(nid_hbm.at[pl.ds(15 * CPW, TAIL)], idt_v)
            @plsc.parallel_loop(0, TAIL // LANES, unroll=4)
            def _w(j):
                valt_v[pl.ds(j * LANES, LANES)] = (
                    lax.iota(jnp.int32, LANES) + (15 * CPW + j * LANES))
            pltpu.sync_copy(valt_v, inv_s.at[idt_v])
        @pl.when(wid < Q // QPW)
        def _():
            pltpu.sync_copy(qid_hbm.at[pl.ds(wid * QPW, QPW)], q_v)
        @pl.when(s < 10)
        def _():
            pltpu.make_async_copy(feat_hbm.at[pl.ds(s * 1000, 1000), c],
                                  feat_s.at[pl.ds(s * 1000, 1000)], fsem).wait()
        plsc.subcore_barrier()
        @pl.when(wid < Q // QPW)
        def _():
            pltpu.sync_copy(inv_s.at[q_v], pos_v)
            pltpu.async_copy(feat_s.at[pos_v], rows_v, sem).wait()
            pltpu.sync_copy(rows_v, out_hbm.at[pl.ds(wid * QPW, QPW), c])

    return k(node_ids, qids, feat3)


def _tc_body(nf, wg, gamma, beta, grows, lf, wif, wim, bl, wh, whd, bhd,
             hh_o, xw):
    W_gat = wg[:]
    gat = jnp.tanh(jnp.dot(nf[:], W_gat, preferred_element_type=jnp.float32))
    ones = jnp.ones((1, N), jnp.float32)
    mean = jnp.dot(ones, gat, preferred_element_type=jnp.float32) / N
    var = jnp.dot(ones, gat * gat, preferred_element_type=jnp.float32) / N - mean * mean
    scale = gamma[:] * lax.rsqrt(var + 1e-5)
    shift = beta[:] - mean * scale
    m = jnp.tanh(jnp.dot(grows[:], W_gat, preferred_element_type=jnp.float32))
    mn = m * scale + shift
    xw[:] = (jnp.dot(lf[:], wif[:], preferred_element_type=jnp.float32)
             + jnp.dot(mn, wim[:], preferred_element_type=jnp.float32) + bl[:])
    Wh = wh[:]

    def step(t, carry):
        h, c = carry
        z = xw[pl.ds(t * B, B), :] + jnp.dot(h, Wh, preferred_element_type=jnp.float32)
        i = jax.nn.sigmoid(z[:, :H])
        f = jax.nn.sigmoid(z[:, H:2 * H])
        g = jnp.tanh(z[:, 2 * H:3 * H])
        o = jax.nn.sigmoid(z[:, 3 * H:])
        c = f * c + i * g
        h = o * jnp.tanh(c)
        return (h, c)

    h0 = jnp.zeros((B, H), jnp.float32)
    h, c = lax.fori_loop(0, L, step, (h0, h0))
    hh = jnp.dot(h, whd[:], preferred_element_type=jnp.float32) + bhd[:]
    logits = hh[:, :A]
    mx = jnp.max(logits, axis=-1, keepdims=True)
    lse = jnp.log(jnp.sum(jnp.exp(logits - mx), axis=-1, keepdims=True))
    hh_o[:, :A] = logits - mx - lse
    hh_o[:, A:] = hh[:, A:]


def kernel(lstm_feat, node_feat, W_gat, gamma, beta, Wi, Wh, b_lstm,
           W_act, b_act, W_time, b_time, W_tr, b_tr, seq_ids, node_ids):
    q = jnp.swapaxes(seq_ids, 0, 1).reshape(-1).astype(jnp.int32)
    gathered = _sc_gather(node_ids.astype(jnp.int32), q,
                          node_feat.reshape(N, 2, DN // 2)).reshape(Q, DN)

    lf_t = jnp.swapaxes(lstm_feat, 0, 1).reshape(Q, F)
    w_heads = jnp.concatenate([W_act, W_time, W_tr], axis=1)
    b_heads = jnp.concatenate([b_act, b_time, b_tr]).reshape(1, A + 2)
    hh = pl.pallas_call(
        _tc_body,
        out_shape=jax.ShapeDtypeStruct((B, A + 2), jnp.float32),
        scratch_shapes=[pltpu.VMEM((Q, 4 * H), jnp.float32)],
    )(node_feat, W_gat, gamma.reshape(1, DG), beta.reshape(1, DG), gathered,
      lf_t, Wi[:F], Wi[F:], b_lstm.reshape(1, 4 * H), Wh, w_heads, b_heads)
    return (hh[:, :A], hh[:, A:A + 1], hh[:, A + 1:A + 2])

# --- scband reference (transcript-rebuilt; emitter-appended) ---
"""Pipeline reference for scband-lstmgatmodel-25048249270537 (READ-ONLY COPY).

The authoritative reference and input builder live on the scoring server;
editing this copy changes nothing except your own understanding.
"""

import jax, jax.numpy as jnp
import numpy as np

B, L, F, N, DN, DG, H, A = 32, 50, 32, 10000, 128, 64, 128, 32


def setup_inputs(seed: int = 0) -> dict:
    key = jax.random.key(seed)
    ks = jax.random.split(key, 16)
    lstm_feat = jax.random.normal(ks[0], (B, L, F), dtype=jnp.float32)
    seq_ids = jax.random.randint(ks[1], (B, L), 0, N)
    node_feat = jax.random.normal(ks[2], (N, DN), dtype=jnp.float32)
    # data.x[:, 0]: unique node ids stored in permuted order -> nontrivial exact-match retrieval
    node_ids = jax.random.permutation(ks[3], N)
    in_dim = F + DG  # (F+1 raw channels + DG matched) minus the id channel
    W_gat = jax.random.normal(ks[4], (DN, DG), dtype=jnp.float32) * 0.05
    gamma = jnp.ones((DG,), jnp.float32)
    beta = jnp.zeros((DG,), jnp.float32)
    Wi = jax.random.normal(ks[5], (in_dim, 4 * H), dtype=jnp.float32) * 0.05
    Wh = jax.random.normal(ks[6], (H, 4 * H), dtype=jnp.float32) * 0.05
    b_lstm = jnp.zeros((4 * H,), jnp.float32)
    W_act = jax.random.normal(ks[7], (H, A), dtype=jnp.float32) * 0.05
    b_act = jnp.zeros((A,), jnp.float32)
    W_time = jax.random.normal(ks[8], (H, 1), dtype=jnp.float32) * 0.05
    b_time = jnp.zeros((1,), jnp.float32)
    W_tr = jax.random.normal(ks[9], (H, 1), dtype=jnp.float32) * 0.05
    b_tr = jnp.zeros((1,), jnp.float32)
    return {"lstm_feat": lstm_feat, "node_feat": node_feat, "W_gat": W_gat,
            "gamma": gamma, "beta": beta, "Wi": Wi, "Wh": Wh, "b_lstm": b_lstm,
            "W_act": W_act, "b_act": b_act, "W_time": W_time, "b_time": b_time,
            "W_tr": W_tr, "b_tr": b_tr, "seq_ids": seq_ids, "node_ids": node_ids}


def reference(lstm_feat, node_feat, W_gat, gamma, beta, Wi, Wh, b_lstm,
              W_act, b_act, W_time, b_time, W_tr, b_tr, seq_ids, node_ids):
    # data.lstm_input: channel 0 holds node ids, rest are features (model_used='GRAPH')
    data_input = jnp.concatenate([seq_ids.astype(jnp.float32)[:, :, None], lstm_feat], axis=2)
    # gat_model(data, T): node embeddings, identical across batch
    gat = jnp.tanh(node_feat @ W_gat)  # [N, DG]
    # bn_gnn over channel dim (permute(0,2,1) BatchNorm1d permute back)
    mean = jnp.mean(gat, axis=0)
    var = jnp.var(gat, axis=0)
    gat_n = gamma * (gat - mean) / jnp.sqrt(var + 1e-5) + beta
    # exact-match retrieval: for each (b, t) find first row of data.x whose id column equals the value
    first_row = data_input[:, :, 0]  # [B, L]
    x_ids = node_ids.astype(jnp.float32)  # data.x[:, 0]
    eq = first_row[:, :, None] == x_ids[None, None, :]  # [B, L, N]
    has_match = jnp.any(eq, axis=-1)
    match_idx = jnp.argmax(eq, axis=-1)  # first matching index
    matched = jnp.where(has_match[:, :, None], gat_n[match_idx], 0.0)  # [B, L, DG]
    concatenated = jnp.concatenate([data_input, matched], axis=2)
    lstm_in = concatenated[:, :, 1:]  # drop id channel
    # lstm_model: single-layer LSTM + three heads (act / time / timeR)
    def step(carry, xt):
        h, c = carry
        z = xt @ Wi + h @ Wh + b_lstm
        i, f, g, o = jnp.split(z, 4, axis=-1)
        i = jax.nn.sigmoid(i)
        f = jax.nn.sigmoid(f)
        g = jnp.tanh(g)
        o = jax.nn.sigmoid(o)
        c = f * c + i * g
        h = o * jnp.tanh(c)
        return (h, c), h
    h0 = jnp.zeros((lstm_in.shape[0], H), jnp.float32)
    c0 = jnp.zeros((lstm_in.shape[0], H), jnp.float32)
    (h, c), _ = jax.lax.scan(step, (h0, c0), jnp.swapaxes(lstm_in, 0, 1))
    act_output = jax.nn.log_softmax(h @ W_act + b_act, axis=-1)
    time_output = h @ W_time + b_time
    timeR_output = h @ W_tr + b_tr
    return (act_output, time_output, timeR_output)

if __name__ == "__main__":
    import jax
    _d = setup_inputs()
    print(jax.jit(kernel)(*tuple(_d.values())))

</pallas_src>

<mosaic_0001>
#map = affine_map<(d0, d1) -> (0)>
#map1 = affine_map<(d0, d1) -> (0, 0, 0)>
module attributes {stable_mosaic.version = 14 : i64} {
  func.func @k(%arg0: i32, %arg1: i32, %arg2: memref<10000xi32, #tpu.memory_space<hbm>>, %arg3: memref<1600xi32, #tpu.memory_space<hbm>>, %arg4: memref<10000x2x64xf32, #tpu.memory_space<hbm>>, %arg5: memref<1600x2x64xf32, #tpu.memory_space<hbm>>, %arg6: memref<640xi32, #tpu.memory_space<vmem>>, %arg7: memref<640xi32, #tpu.memory_space<vmem>>, %arg8: memref<400xi32, #tpu.memory_space<vmem>>, %arg9: memref<400xi32, #tpu.memory_space<vmem>>, %arg10: memref<64xi32, #tpu.memory_space<vmem>>, %arg11: memref<64xi32, #tpu.memory_space<vmem>>, %arg12: memref<64x64xf32, #tpu.memory_space<vmem>>, %arg13: memref<10000xi32, #tpu.memory_space<vmem_shared>>, %arg14: memref<10000x64xf32, #tpu.memory_space<vmem_shared>>, %arg15: memref<!tpu.dma_semaphore, #tpu.memory_space<semaphore_mem>>, %arg16: memref<!tpu.dma_semaphore, #tpu.memory_space<semaphore_mem>>) attributes {dimension_semantics = [#tpu.dimension_semantics<core_parallel>, #tpu.dimension_semantics<subcore_parallel>], iteration_bounds = array<i64: 2, 16>, scalar_prefetch = 0 : i64, scratch_operands = 11 : i64, tpu.core_type = #tpu.core_type<sc_vector_subcore>, window_params = [{transform_indices = #map}, {transform_indices = #map}, {transform_indices = #map1}, {transform_indices = #map1}]} {
    %mul3A = arith.constant 2 : i32
    %mul3A_0 = arith.muli %arg1, %mul3A : i32
    %add3A = arith.addi %mul3A_0, %arg0 : i32
    %lt3A = arith.constant 10 : i32
    %lt3A_1 = arith.cmpi slt, %arg1, %lt3A : i32
    %convert_element_type3A = arith.extui %lt3A_1 : i1 to i32
    %cond3A = arith.constant 0 : i32
    %cond3A_2 = arith.cmpi ne, %convert_element_type3A, %cond3A : i32
    scf.if %cond3A_2 {
      %mul3A_27 = arith.constant 1000 : i32
      %mul3A_28 = arith.muli %arg1, %mul3A_27 : i32
      %mul3A_29 = arith.constant 1000 : i32
      %mul3A_30 = arith.muli %arg1, %mul3A_29 : i32
      %dma_start3A = arith.constant 0 : i32
      %dma_start3A_31 = tpu.memref_slice %arg14[%mul3A_30, %dma_start3A] : memref<10000x64xf32, #tpu.memory_space<vmem_shared>> -> memref<1000x64xf32, #tpu.memory_space<vmem_shared>>
      %dma_start3A_32 = arith.constant 0 : i32
      %dma_start3A_33 = tpu.memref_slice %arg4[%mul3A_28, %arg0, %dma_start3A_32] : memref<10000x2x64xf32, #tpu.memory_space<hbm>> -> memref<1000x1x64xf32, #tpu.memory_space<hbm>>
      %dma_start3A_34 = tpu.memref_squeeze %dma_start3A_33 : memref<1000x1x64xf32, #tpu.memory_space<hbm>> -> memref<1000x64xf32, #tpu.memory_space<hbm>>
      tpu.enqueue_dma source(%dma_start3A_34 : memref<1000x64xf32, #tpu.memory_space<hbm>>) target(%dma_start3A_31 : memref<1000x64xf32, #tpu.memory_space<vmem_shared>>) target_semaphore(%arg16 : memref<!tpu.dma_semaphore, #tpu.memory_space<semaphore_mem>>)
    } else {
    }
    %lt3A_3 = arith.constant 15 : i32
    %lt3A_4 = arith.cmpi slt, %arg1, %lt3A_3 : i32
    %convert_element_type3A_5 = arith.extui %lt3A_4 : i1 to i32
    %cond3A_6 = arith.constant 0 : i32
    %cond3A_7 = arith.cmpi ne, %convert_element_type3A_5, %cond3A_6 : i32
    scf.if %cond3A_7 {
      %mul3A_27 = arith.constant 640 : i32
      %mul3A_28 = arith.muli %arg1, %mul3A_27 : i32
      "tpu.region"() ({
        %run_scoped3A = tpu.sem_alloc : memref<!tpu.dma_semaphore, #tpu.memory_space<semaphore_mem>>
        %dma_start3A = tpu.memref_slice %arg2[%mul3A_28] : memref<10000xi32, #tpu.memory_space<hbm>> -> memref<640xi32, #tpu.memory_space<hbm>>
        %dma_start3A_31 = tpu.memref_slice %arg2[%mul3A_28] : memref<10000xi32, #tpu.memory_space<hbm>> -> memref<640xi32, #tpu.memory_space<hbm>>
        tpu.enqueue_dma source(%dma_start3A_31 : memref<640xi32, #tpu.memory_space<hbm>>) target(%arg6 : memref<640xi32, #tpu.memory_space<vmem>>) target_semaphore(%run_scoped3A : memref<!tpu.dma_semaphore, #tpu.memory_space<semaphore_mem>>)
        %dma_wait3A = tpu.memref_slice %arg2[%mul3A_28] : memref<10000xi32, #tpu.memory_space<hbm>> -> memref<640xi32, #tpu.memory_space<hbm>>
        %dma_wait3A_32 = tpu.memref_slice %arg2[%mul3A_28] : memref<10000xi32, #tpu.memory_space<hbm>> -> memref<640xi32, #tpu.memory_space<hbm>>
        tpu.wait_dma2 semaphore(%run_scoped3A : memref<!tpu.dma_semaphore, #tpu.memory_space<semaphore_mem>>) src(%dma_wait3A_32 : memref<640xi32, #tpu.memory_space<hbm>>) dst(%arg6 : memref<640xi32, #tpu.memory_space<vmem>>)
        tpu.yield
      }) : () -> ()
      %parallel_loop3A = arith.constant 0 : i32
      %parallel_loop3A_29 = arith.constant 40 : i32
      %parallel_loop3A_30 = arith.constant 1 : i32
      scf.for %parallel_loop3A_31 = %parallel_loop3A to %parallel_loop3A_29 step %parallel_loop3A_30  : i32 {
        %parallel_loop3A_32 = tpu.iota {dimensions = array<i32: 0>} : vector<16xi32>
        %parallel_loop3A_33 = arith.constant 640 : i32
        %parallel_loop3A_34 = arith.muli %arg1, %parallel_loop3A_33 : i32
        %parallel_loop3A_35 = arith.constant 16 : i32
        %parallel_loop3A_36 = arith.muli %parallel_loop3A_31, %parallel_loop3A_35 : i32
        %parallel_loop3A_37 = arith.addi %parallel_loop3A_34, %parallel_loop3A_36 : i32
        %parallel_loop3A_38 = vector.broadcast %parallel_loop3A_37 : i32 to vector<16xi32>
        %parallel_loop3A_39 = arith.addi %parallel_loop3A_32, %parallel_loop3A_38 : vector<16xi32>
        %parallel_loop3A_40 = arith.constant 16 : i32
        %parallel_loop3A_41 = arith.muli %parallel_loop3A_31, %parallel_loop3A_40 : i32
        %parallel_loop3A_42 = arith.index_cast %parallel_loop3A_41 : i32 to index
        %parallel_loop3A_43 = tpu.vector_load %arg7[%parallel_loop3A_42] {strides = array<i32>} : memref<640xi32, #tpu.memory_space<vmem>>, vector<16xi32>,
        tpu.vector_store %arg7[%parallel_loop3A_42], %parallel_loop3A_39 {strides = array<i32>} : memref<640xi32, #tpu.memory_space<vmem>>, vector<16xi32>,
      } {sc.loop_unroll_factor = 4 : i64, sc.parallel_access}
      "tpu.region"() ({
        %run_scoped3A = tpu.sem_alloc : memref<!tpu.dma_semaphore, #tpu.memory_space<semaphore_mem>>
        %dma_start3A = arith.constant 0 : i32
        %dma_start3A_31 = tpu.memref_slice %arg13[%dma_start3A] : memref<10000xi32, #tpu.memory_space<vmem_shared>> -> memref<10000xi32, #tpu.memory_space<vmem_shared>>
        tpu.enqueue_indirect_dma source(%arg7 : memref<640xi32, #tpu.memory_space<vmem>>) target(%dma_start3A_31 : memref<10000xi32, #tpu.memory_space<vmem_shared>>) offsets(%arg6 : memref<640xi32, #tpu.memory_space<vmem>>) semaphore(%run_scoped3A : memref<!tpu.dma_semaphore, #tpu.memory_space<semaphore_mem>>)
        %dma_wait3A = arith.constant 0 : i32
        %dma_wait3A_32 = tpu.memref_slice %arg13[%dma_wait3A] : memref<10000xi32, #tpu.memory_space<vmem_shared>> -> memref<10000xi32, #tpu.memory_space<vmem_shared>>
        tpu.wait_indirect_dma semaphore(%run_scoped3A : memref<!tpu.dma_semaphore, #tpu.memory_space<semaphore_mem>>) src(%arg7 : memref<640xi32, #tpu.memory_space<vmem>>) dst(%dma_wait3A_32 : memref<10000xi32, #tpu.memory_space<vmem_shared>>)
        tpu.yield
      }) : () -> ()
    } else {
    }
    %eq3A = arith.constant 15 : i32
    %eq3A_8 = arith.cmpi eq, %arg1, %eq3A : i32
    %convert_element_type3A_9 = arith.extui %eq3A_8 : i1 to i32
    %cond3A_10 = arith.constant 0 : i32
    %cond3A_11 = arith.cmpi ne, %convert_element_type3A_9, %cond3A_10 : i32
    scf.if %cond3A_11 {
      "tpu.region"() ({
        %run_scoped3A = tpu.sem_alloc : memref<!tpu.dma_semaphore, #tpu.memory_space<semaphore_mem>>
        %dma_start3A = arith.constant 9600 : i32
        %dma_start3A_29 = tpu.memref_slice %arg2[%dma_start3A] : memref<10000xi32, #tpu.memory_space<hbm>> -> memref<400xi32, #tpu.memory_space<hbm>>
        %dma_start3A_30 = arith.constant 9600 : i32
        %dma_start3A_31 = tpu.memref_slice %arg2[%dma_start3A_30] : memref<10000xi32, #tpu.memory_space<hbm>> -> memref<400xi32, #tpu.memory_space<hbm>>
        tpu.enqueue_dma source(%dma_start3A_31 : memref<400xi32, #tpu.memory_space<hbm>>) target(%arg8 : memref<400xi32, #tpu.memory_space<vmem>>) target_semaphore(%run_scoped3A : memref<!tpu.dma_semaphore, #tpu.memory_space<semaphore_mem>>)
        %dma_wait3A = arith.constant 9600 : i32
        %dma_wait3A_32 = tpu.memref_slice %arg2[%dma_wait3A] : memref<10000xi32, #tpu.memory_space<hbm>> -> memref<400xi32, #tpu.memory_space<hbm>>
        %dma_wait3A_33 = arith.constant 9600 : i32
        %dma_wait3A_34 = tpu.memref_slice %arg2[%dma_wait3A_33] : memref<10000xi32, #tpu.memory_space<hbm>> -> memref<400xi32, #tpu.memory_space<hbm>>
        tpu.wait_dma2 semaphore(%run_scoped3A : memref<!tpu.dma_semaphore, #tpu.memory_space<semaphore_mem>>) src(%dma_wait3A_34 : memref<400xi32, #tpu.memory_space<hbm>>) dst(%arg8 : memref<400xi32, #tpu.memory_space<vmem>>)
        tpu.yield
      }) : () -> ()
      %parallel_loop3A = arith.constant 0 : i32
      %parallel_loop3A_27 = arith.constant 25 : i32
      %parallel_loop3A_28 = arith.constant 1 : i32
      scf.for %parallel_loop3A_29 = %parallel_loop3A to %parallel_loop3A_27 step %parallel_loop3A_28  : i32 {
        %parallel_loop3A_30 = tpu.iota {dimensions = array<i32: 0>} : vector<16xi32>
        %parallel_loop3A_31 = arith.constant 16 : i32
        %parallel_loop3A_32 = arith.muli %parallel_loop3A_29, %parallel_loop3A_31 : i32
        %parallel_loop3A_33 = arith.constant 9600 : i32
        %parallel_loop3A_34 = arith.addi %parallel_loop3A_33, %parallel_loop3A_32 : i32
        %parallel_loop3A_35 = vector.broadcast %parallel_loop3A_34 : i32 to vector<16xi32>
        %parallel_loop3A_36 = arith.addi %parallel_loop3A_30, %parallel_loop3A_35 : vector<16xi32>
        %parallel_loop3A_37 = arith.constant 16 : i32
        %parallel_loop3A_38 = arith.muli %parallel_loop3A_29, %parallel_loop3A_37 : i32
        %parallel_loop3A_39 = arith.index_cast %parallel_loop3A_38 : i32 to index
        %parallel_loop3A_40 = tpu.vector_load %arg9[%parallel_loop3A_39] {strides = array<i32>} : memref<400xi32, #tpu.memory_space<vmem>>, vector<16xi32>,
        tpu.vector_store %arg9[%parallel_loop3A_39], %parallel_loop3A_36 {strides = array<i32>} : memref<400xi32, #tpu.memory_space<vmem>>, vector<16xi32>,
      } {sc.loop_unroll_factor = 4 : i64, sc.parallel_access}
      "tpu.region"() ({
        %run_scoped3A = tpu.sem_alloc : memref<!tpu.dma_semaphore, #tpu.memory_space<semaphore_mem>>
        %dma_start3A = arith.constant 0 : i32
        %dma_start3A_29 = tpu.memref_slice %arg13[%dma_start3A] : memref<10000xi32, #tpu.memory_space<vmem_shared>> -> memref<10000xi32, #tpu.memory_space<vmem_shared>>
        tpu.enqueue_indirect_dma source(%arg9 : memref<400xi32, #tpu.memory_space<vmem>>) target(%dma_start3A_29 : memref<10000xi32, #tpu.memory_space<vmem_shared>>) offsets(%arg8 : memref<400xi32, #tpu.memory_space<vmem>>) semaphore(%run_scoped3A : memref<!tpu.dma_semaphore, #tpu.memory_space<semaphore_mem>>)
        %dma_wait3A = arith.constant 0 : i32
        %dma_wait3A_30 = tpu.memref_slice %arg13[%dma_wait3A] : memref<10000xi32, #tpu.memory_space<vmem_shared>> -> memref<10000xi32, #tpu.memory_space<vmem_shared>>
        tpu.wait_indirect_dma semaphore(%run_scoped3A : memref<!tpu.dma_semaphore, #tpu.memory_space<semaphore_mem>>) src(%arg9 : memref<400xi32, #tpu.memory_space<vmem>>) dst(%dma_wait3A_30 : memref<10000xi32, #tpu.memory_space<vmem_shared>>)
        tpu.yield
      }) : () -> ()
    } else {
    }
    %lt3A_12 = arith.constant 25 : i32
    %lt3A_13 = arith.cmpi slt, %add3A, %lt3A_12 : i32
    %convert_element_type3A_14 = arith.extui %lt3A_13 : i1 to i32
    %cond3A_15 = arith.constant 0 : i32
    %cond3A_16 = arith.cmpi ne, %convert_element_type3A_14, %cond3A_15 : i32
    scf.if %cond3A_16 {
      %mul3A_27 = arith.constant 64 : i32
      %mul3A_28 = arith.muli %add3A, %mul3A_27 : i32
      "tpu.region"() ({
        %run_scoped3A = tpu.sem_alloc : memref<!tpu.dma_semaphore, #tpu.memory_space<semaphore_mem>>
        %dma_start3A = tpu.memref_slice %arg3[%mul3A_28] : memref<1600xi32, #tpu.memory_space<hbm>> -> memref<64xi32, #tpu.memory_space<hbm>>
        %dma_start3A_29 = tpu.memref_slice %arg3[%mul3A_28] : memref<1600xi32, #tpu.memory_space<hbm>> -> memref<64xi32, #tpu.memory_space<hbm>>
        tpu.enqueue_dma source(%dma_start3A_29 : memref<64xi32, #tpu.memory_space<hbm>>) target(%arg10 : memref<64xi32, #tpu.memory_space<vmem>>) target_semaphore(%run_scoped3A : memref<!tpu.dma_semaphore, #tpu.memory_space<semaphore_mem>>)
        %dma_wait3A = tpu.memref_slice %arg3[%mul3A_28] : memref<1600xi32, #tpu.memory_space<hbm>> -> memref<64xi32, #tpu.memory_space<hbm>>
        %dma_wait3A_30 = tpu.memref_slice %arg3[%mul3A_28] : memref<1600xi32, #tpu.memory_space<hbm>> -> memref<64xi32, #tpu.memory_space<hbm>>
        tpu.wait_dma2 semaphore(%run_scoped3A : memref<!tpu.dma_semaphore, #tpu.memory_space<semaphore_mem>>) src(%dma_wait3A_30 : memref<64xi32, #tpu.memory_space<hbm>>) dst(%arg10 : memref<64xi32, #tpu.memory_space<vmem>>)
        tpu.yield
      }) : () -> ()
    } else {
    }
    %lt3A_17 = arith.constant 10 : i32
    %lt3A_18 = arith.cmpi slt, %arg1, %lt3A_17 : i32
    %convert_element_type3A_19 = arith.extui %lt3A_18 : i1 to i32
    %cond3A_20 = arith.constant 0 : i32
    %cond3A_21 = arith.cmpi ne, %convert_element_type3A_19, %cond3A_20 : i32
    scf.if %cond3A_21 {
      %mul3A_27 = arith.constant 1000 : i32
      %mul3A_28 = arith.muli %arg1, %mul3A_27 : i32
      %mul3A_29 = arith.constant 1000 : i32
      %mul3A_30 = arith.muli %arg1, %mul3A_29 : i32
      %dma_wait3A = arith.constant 0 : i32
      %dma_wait3A_31 = tpu.memref_slice %arg14[%mul3A_30, %dma_wait3A] : memref<10000x64xf32, #tpu.memory_space<vmem_shared>> -> memref<1000x64xf32, #tpu.memory_space<vmem_shared>>
      %dma_wait3A_32 = arith.constant 0 : i32
      %dma_wait3A_33 = tpu.memref_slice %arg4[%mul3A_28, %arg0, %dma_wait3A_32] : memref<10000x2x64xf32, #tpu.memory_space<hbm>> -> memref<1000x1x64xf32, #tpu.memory_space<hbm>>
      %dma_wait3A_34 = tpu.memref_squeeze %dma_wait3A_33 : memref<1000x1x64xf32, #tpu.memory_space<hbm>> -> memref<1000x64xf32, #tpu.memory_space<hbm>>
      tpu.wait_dma2 semaphore(%arg16 : memref<!tpu.dma_semaphore, #tpu.memory_space<semaphore_mem>>) src(%dma_wait3A_34 : memref<1000x64xf32, #tpu.memory_space<hbm>>) dst(%dma_wait3A_31 : memref<1000x64xf32, #tpu.memory_space<vmem_shared>>)
    } else {
    }
    %barrier3A = arith.constant 0 : index
    tpu.barrier barrier_id(%barrier3A)
    %lt3A_22 = arith.constant 25 : i32
    %lt3A_23 = arith.cmpi slt, %add3A, %lt3A_22 : i32
    %convert_element_type3A_24 = arith.extui %lt3A_23 : i1 to i32
    %cond3A_25 = arith.constant 0 : i32
    %cond3A_26 = arith.cmpi ne, %convert_element_type3A_24, %cond3A_25 : i32
    scf.if %cond3A_26 {
      "tpu.region"() ({
        %run_scoped3A = tpu.sem_alloc : memref<!tpu.dma_semaphore, #tpu.memory_space<semaphore_mem>>
        %dma_start3A_33 = arith.constant 0 : i32
        %dma_start3A_34 = tpu.memref_slice %arg13[%dma_start3A_33] : memref<10000xi32, #tpu.memory_space<vmem_shared>> -> memref<10000xi32, #tpu.memory_space<vmem_shared>>
        tpu.enqueue_indirect_dma source(%dma_start3A_34 : memref<10000xi32, #tpu.memory_space<vmem_shared>>) target(%arg11 : memref<64xi32, #tpu.memory_space<vmem>>) offsets(%arg10 : memref<64xi32, #tpu.memory_space<vmem>>) semaphore(%run_scoped3A : memref<!tpu.dma_semaphore, #tpu.memory_space<semaphore_mem>>)
        %dma_wait3A_35 = arith.constant 0 : i32
        %dma_wait3A_36 = tpu.memref_slice %arg13[%dma_wait3A_35] : memref<10000xi32, #tpu.memory_space<vmem_shared>> -> memref<10000xi32, #tpu.memory_space<vmem_shared>>
        tpu.wait_indirect_dma semaphore(%run_scoped3A : memref<!tpu.dma_semaphore, #tpu.memory_space<semaphore_mem>>) src(%dma_wait3A_36 : memref<10000xi32, #tpu.memory_space<vmem_shared>>) dst(%arg11 : memref<64xi32, #tpu.memory_space<vmem>>)
        tpu.yield
      }) : () -> ()
      %dma_start3A = arith.constant 0 : i32
      %dma_start3A_27 = arith.constant 0 : i32
      %dma_start3A_28 = tpu.memref_slice %arg14[%dma_start3A, %dma_start3A_27] : memref<10000x64xf32, #tpu.memory_space<vmem_shared>> -> memref<10000x64xf32, #tpu.memory_space<vmem_shared>>
      tpu.enqueue_indirect_dma source(%dma_start3A_28 : memref<10000x64xf32, #tpu.memory_space<vmem_shared>>) target(%arg12 : memref<64x64xf32, #tpu.memory_space<vmem>>) offsets(%arg11 : memref<64xi32, #tpu.memory_space<vmem>>) semaphore(%arg15 : memref<!tpu.dma_semaphore, #tpu.memory_space<semaphore_mem>>)
      %dma_wait3A = arith.constant 0 : i32
      %dma_wait3A_29 = arith.constant 0 : i32
      %dma_wait3A_30 = tpu.memref_slice %arg14[%dma_wait3A, %dma_wait3A_29] : memref<10000x64xf32, #tpu.memory_space<vmem_shared>> -> memref<10000x64xf32, #tpu.memory_space<vmem_shared>>
      tpu.wait_indirect_dma semaphore(%arg15 : memref<!tpu.dma_semaphore, #tpu.memory_space<semaphore_mem>>) src(%dma_wait3A_30 : memref<10000x64xf32, #tpu.memory_space<vmem_shared>>) dst(%arg12 : memref<64x64xf32, #tpu.memory_space<vmem>>)
      %mul3A_31 = arith.constant 64 : i32
      %mul3A_32 = arith.muli %add3A, %mul3A_31 : i32
      "tpu.region"() ({
        %run_scoped3A = tpu.sem_alloc : memref<!tpu.dma_semaphore, #tpu.memory_space<semaphore_mem>>
        %dma_start3A_33 = arith.constant 0 : i32
        %dma_start3A_34 = tpu.memref_slice %arg5[%mul3A_32, %arg0, %dma_start3A_33] : memref<1600x2x64xf32, #tpu.memory_space<hbm>> -> memref<64x1x64xf32, #tpu.memory_space<hbm>>
        %dma_start3A_35 = tpu.memref_squeeze %dma_start3A_34 : memref<64x1x64xf32, #tpu.memory_space<hbm>> -> memref<64x64xf32, #tpu.memory_space<hbm>>
        %dma_start3A_36 = arith.constant 0 : i32
        %dma_start3A_37 = tpu.memref_slice %arg5[%mul3A_32, %arg0, %dma_start3A_36] : memref<1600x2x64xf32, #tpu.memory_space<hbm>> -> memref<64x1x64xf32, #tpu.memory_space<hbm>>
        %dma_start3A_38 = tpu.memref_squeeze %dma_start3A_37 : memref<64x1x64xf32, #tpu.memory_space<hbm>> -> memref<64x64xf32, #tpu.memory_space<hbm>>
        tpu.enqueue_dma source(%arg12 : memref<64x64xf32, #tpu.memory_space<vmem>>) target(%dma_start3A_38 : memref<64x64xf32, #tpu.memory_space<hbm>>) target_semaphore(%run_scoped3A : memref<!tpu.dma_semaphore, #tpu.memory_space<semaphore_mem>>)
        %dma_wait3A_39 = arith.constant 0 : i32
        %dma_wait3A_40 = tpu.memref_slice %arg5[%mul3A_32, %arg0, %dma_wait3A_39] : memref<1600x2x64xf32, #tpu.memory_space<hbm>> -> memref<64x1x64xf32, #tpu.memory_space<hbm>>
        %dma_wait3A_41 = tpu.memref_squeeze %dma_wait3A_40 : memref<64x1x64xf32, #tpu.memory_space<hbm>> -> memref<64x64xf32, #tpu.memory_space<hbm>>
        %dma_wait3A_42 = arith.constant 0 : i32
        %dma_wait3A_43 = tpu.memref_slice %arg5[%mul3A_32, %arg0, %dma_wait3A_42] : memref<1600x2x64xf32, #tpu.memory_space<hbm>> -> memref<64x1x64xf32, #tpu.memory_space<hbm>>
        %dma_wait3A_44 = tpu.memref_squeeze %dma_wait3A_43 : memref<64x1x64xf32, #tpu.memory_space<hbm>> -> memref<64x64xf32, #tpu.memory_space<hbm>>
        tpu.wait_dma2 semaphore(%run_scoped3A : memref<!tpu.dma_semaphore, #tpu.memory_space<semaphore_mem>>) src(%arg12 : memref<64x64xf32, #tpu.memory_space<vmem>>) dst(%dma_wait3A_44 : memref<64x64xf32, #tpu.memory_space<hbm>>)
        tpu.yield
      }) : () -> ()
    } else {
    }
    return
  }
}

module attributes {stable_mosaic.version = 14 : i64} {
  func.func @_tc_body(%arg0: memref<10000x128xf32, #tpu.memory_space<vmem>>, %arg1: memref<128x64xf32, #tpu.memory_space<vmem>>, %arg2: memref<1x64xf32, #tpu.memory_space<vmem>>, %arg3: memref<1x64xf32, #tpu.memory_space<vmem>>, %arg4: memref<1600x128xf32, #tpu.memory_space<vmem>>, %arg5: memref<1600x32xf32, #tpu.memory_space<vmem>>, %arg6: memref<32x512xf32, #tpu.memory_space<vmem>>, %arg7: memref<64x512xf32, #tpu.memory_space<vmem>>, %arg8: memref<1x512xf32, #tpu.memory_space<vmem>>, %arg9: memref<128x512xf32, #tpu.memory_space<vmem>>, %arg10: memref<128x34xf32, #tpu.memory_space<vmem>>, %arg11: memref<1x34xf32, #tpu.memory_space<vmem>>, %arg12: memref<32x34xf32, #tpu.memory_space<vmem>>, %arg13: memref<1600x512xf32, #tpu.memory_space<vmem>>) attributes {dimension_semantics = [], scalar_prefetch = 0 : i64, scratch_operands = 1 : i64, tpu.core_type = #tpu.core_type<tc>} {
    %get3A = arith.constant 0 : index
    %get3A_0 = arith.constant 0 : index
    %get3A_1 = vector.load %arg1[%get3A, %get3A_0] : memref<128x64xf32, #tpu.memory_space<vmem>>, vector<128x64xf32>
    %get3A_2 = arith.constant 0 : index
    %get3A_3 = arith.constant 0 : index
    %get3A_4 = vector.load %arg0[%get3A_2, %get3A_3] : memref<10000x128xf32, #tpu.memory_space<vmem>>, vector<10000x128xf32>
    %dot_general3A = arith.constant dense<0.000000e+00> : vector<10000x64xf32>
    %dot_general3A_5 = tpu.matmul %get3A_4, %get3A_1, %dot_general3A {dimension_numbers = #tpu.dot_dimension_numbers<[1], [0], [0], [1], [0, 0, 1, 1], [], []>, transpose_lhs_hint = false} : vector<10000x128xf32>, vector<128x64xf32>, vector<10000x64xf32> -> vector<10000x64xf32>
    %tanh3A = math.tanh %dot_general3A_5 : vector<10000x64xf32>
    %broadcast_in_dim3A = arith.constant 1.000000e+00 : f32
    %broadcast_in_dim3A_6 = vector.broadcast %broadcast_in_dim3A : f32 to vector<1x10000xf32>
    %dot_general3A_7 = arith.constant dense<0.000000e+00> : vector<1x64xf32>
    %dot_general3A_8 = tpu.matmul %broadcast_in_dim3A_6, %tanh3A, %dot_general3A_7 {dimension_numbers = #tpu.dot_dimension_numbers<[1], [0], [0], [1], [0, 0, 1, 1], [], []>, transpose_lhs_hint = false} : vector<1x10000xf32>, vector<10000x64xf32>, vector<1x64xf32> -> vector<1x64xf32>
    %div3A = arith.constant 1.000000e+04 : f32
    %div3A_9 = vector.broadcast %div3A : f32 to vector<1x64xf32>
    %div3A_10 = arith.divf %dot_general3A_8, %div3A_9 : vector<1x64xf32>
    %mul3A = arith.mulf %tanh3A, %tanh3A : vector<10000x64xf32>
    %dot_general3A_11 = arith.constant dense<0.000000e+00> : vector<1x64xf32>
    %dot_general3A_12 = tpu.matmul %broadcast_in_dim3A_6, %mul3A, %dot_general3A_11 {dimension_numbers = #tpu.dot_dimension_numbers<[1], [0], [0], [1], [0, 0, 1, 1], [], []>, transpose_lhs_hint = false} : vector<1x10000xf32>, vector<10000x64xf32>, vector<1x64xf32> -> vector<1x64xf32>
    %div3A_13 = arith.constant 1.000000e+04 : f32
    %div3A_14 = vector.broadcast %div3A_13 : f32 to vector<1x64xf32>
    %div3A_15 = arith.divf %dot_general3A_12, %div3A_14 : vector<1x64xf32>
    %mul3A_16 = arith.mulf %div3A_10, %div3A_10 : vector<1x64xf32>
    %sub3A = arith.subf %div3A_15, %mul3A_16 : vector<1x64xf32>
    %get3A_17 = arith.constant 0 : index
    %get3A_18 = arith.constant 0 : index
    %get3A_19 = vector.load %arg2[%get3A_17, %get3A_18] : memref<1x64xf32, #tpu.memory_space<vmem>>, vector<1x64xf32>
    %add3A = arith.constant 9.99999974E-6 : f32
    %add3A_20 = vector.broadcast %add3A : f32 to vector<1x64xf32>
    %add3A_21 = arith.addf %sub3A, %add3A_20 : vector<1x64xf32>
    %rsqrt3A = math.rsqrt %add3A_21 : vector<1x64xf32>
    %mul3A_22 = arith.mulf %get3A_19, %rsqrt3A : vector<1x64xf32>
    %get3A_23 = arith.constant 0 : index
    %get3A_24 = arith.constant 0 : index
    %get3A_25 = vector.load %arg3[%get3A_23, %get3A_24] : memref<1x64xf32, #tpu.memory_space<vmem>>, vector<1x64xf32>
    %mul3A_26 = arith.mulf %div3A_10, %mul3A_22 : vector<1x64xf32>
    %sub3A_27 = arith.subf %get3A_25, %mul3A_26 : vector<1x64xf32>
    %get3A_28 = arith.constant 0 : index
    %get3A_29 = arith.constant 0 : index
    %get3A_30 = vector.load %arg4[%get3A_28, %get3A_29] : memref<1600x128xf32, #tpu.memory_space<vmem>>, vector<1600x128xf32>
    %dot_general3A_31 = arith.constant dense<0.000000e+00> : vector<1600x64xf32>
    %dot_general3A_32 = tpu.matmul %get3A_30, %get3A_1, %dot_general3A_31 {dimension_numbers = #tpu.dot_dimension_numbers<[1], [0], [0], [1], [0, 0, 1, 1], [], []>, transpose_lhs_hint = false} : vector<1600x128xf32>, vector<128x64xf32>, vector<1600x64xf32> -> vector<1600x64xf32>
    %tanh3A_33 = math.tanh %dot_general3A_32 : vector<1600x64xf32>
    %mul3A_34 = vector.broadcast %mul3A_22 : vector<1x64xf32> to vector<1600x64xf32>
    %mul3A_35 = arith.mulf %tanh3A_33, %mul3A_34 : vector<1600x64xf32>
    %add3A_36 = vector.broadcast %sub3A_27 : vector<1x64xf32> to vector<1600x64xf32>
    %add3A_37 = arith.addf %mul3A_35, %add3A_36 : vector<1600x64xf32>
    %get3A_38 = arith.constant 0 : index
    %get3A_39 = arith.constant 0 : index
    %get3A_40 = vector.load %arg5[%get3A_38, %get3A_39] : memref<1600x32xf32, #tpu.memory_space<vmem>>, vector<1600x32xf32>
    %get3A_41 = arith.constant 0 : index
    %get3A_42 = arith.constant 0 : index
    %get3A_43 = vector.load %arg6[%get3A_41, %get3A_42] : memref<32x512xf32, #tpu.memory_space<vmem>>, vector<32x512xf32>
    %dot_general3A_44 = arith.constant dense<0.000000e+00> : vector<1600x512xf32>
    %dot_general3A_45 = tpu.matmul %get3A_40, %get3A_43, %dot_general3A_44 {dimension_numbers = #tpu.dot_dimension_numbers<[1], [0], [0], [1], [0, 0, 1, 1], [], []>, transpose_lhs_hint = false} : vector<1600x32xf32>, vector<32x512xf32>, vector<1600x512xf32> -> vector<1600x512xf32>
    %get3A_46 = arith.constant 0 : index
    %get3A_47 = arith.constant 0 : index
    %get3A_48 = vector.load %arg7[%get3A_46, %get3A_47] : memref<64x512xf32, #tpu.memory_space<vmem>>, vector<64x512xf32>
    %dot_general3A_49 = arith.constant dense<0.000000e+00> : vector<1600x512xf32>
    %dot_general3A_50 = tpu.matmul %add3A_37, %get3A_48, %dot_general3A_49 {dimension_numbers = #tpu.dot_dimension_numbers<[1], [0], [0], [1], [0, 0, 1, 1], [], []>, transpose_lhs_hint = false} : vector<1600x64xf32>, vector<64x512xf32>, vector<1600x512xf32> -> vector<1600x512xf32>
    %add3A_51 = arith.addf %dot_general3A_45, %dot_general3A_50 : vector<1600x512xf32>
    %get3A_52 = arith.constant 0 : index
    %get3A_53 = arith.constant 0 : index
    %get3A_54 = vector.load %arg8[%get3A_52, %get3A_53] : memref<1x512xf32, #tpu.memory_space<vmem>>, vector<1x512xf32>
    %add3A_55 = vector.broadcast %get3A_54 : vector<1x512xf32> to vector<1600x512xf32>
    %add3A_56 = arith.addf %add3A_51, %add3A_55 : vector<1600x512xf32>
    %swap3A = arith.constant 0 : index
    %swap3A_57 = arith.constant 0 : index
    %swap3A_58 = vector.load %arg13[%swap3A, %swap3A_57] : memref<1600x512xf32, #tpu.memory_space<vmem>>, vector<1600x512xf32>
    tpu.vector_store %arg13[%swap3A, %swap3A_57], %add3A_56 {strides = array<i32>} : memref<1600x512xf32, #tpu.memory_space<vmem>>, vector<1600x512xf32>,
    %get3A_59 = arith.constant 0 : index
    %get3A_60 = arith.constant 0 : index
    %get3A_61 = vector.load %arg9[%get3A_59, %get3A_60] : memref<128x512xf32, #tpu.memory_space<vmem>>, vector<128x512xf32>
    %broadcast_in_dim3A_62 = arith.constant 0.000000e+00 : f32
    %broadcast_in_dim3A_63 = vector.broadcast %broadcast_in_dim3A_62 : f32 to vector<32x128xf32>
    %scan3A = arith.constant 0 : i32
    %scan3A_64 = arith.constant 50 : i32
    %scan3A_65 = arith.addi %scan3A, %scan3A_64 : i32
    %scan3A_66 = arith.constant 1 : i32
    %scan3A_67:2 = scf.for %scan3A_96 = %scan3A to %scan3A_65 step %scan3A_66 iter_args(%scan3A_97 = %broadcast_in_dim3A_63, %scan3A_98 = %broadcast_in_dim3A_63) -> (vector<32x128xf32>, vector<32x128xf32>)  : i32 {
      %mul3A_99 = arith.constant 32 : i32
      %mul3A_100 = arith.muli %scan3A_96, %mul3A_99 : i32
      %get3A_101 = arith.index_cast %mul3A_100 : i32 to index
      %get3A_102 = arith.constant 0 : index
      %get3A_103 = vector.load %arg13[%get3A_101, %get3A_102] : memref<1600x512xf32, #tpu.memory_space<vmem>>, vector<32x512xf32>
      %dot_general3A_104 = arith.constant dense<0.000000e+00> : vector<32x512xf32>
      %dot_general3A_105 = tpu.matmul %scan3A_97, %get3A_61, %dot_general3A_104 {dimension_numbers = #tpu.dot_dimension_numbers<[1], [0], [0], [1], [0, 0, 1, 1], [], []>, transpose_lhs_hint = false} : vector<32x128xf32>, vector<128x512xf32>, vector<32x512xf32> -> vector<32x512xf32>
      %add3A_106 = arith.addf %get3A_103, %dot_general3A_105 : vector<32x512xf32>
      %slice3A_107 = vector.extract_strided_slice %add3A_106 {offsets = [0, 0], sizes = [32, 128], strides = [1, 1]} : vector<32x512xf32> to vector<32x128xf32>
      %logistic3A = arith.negf %slice3A_107 : vector<32x128xf32>
      %logistic3A_108 = math.exp %logistic3A : vector<32x128xf32>
      %logistic3A_109 = arith.constant 1.000000e+00 : f32
      %logistic3A_110 = vector.broadcast %logistic3A_109 : f32 to vector<32x128xf32>
      %logistic3A_111 = arith.addf %logistic3A_110, %logistic3A_108 : vector<32x128xf32>
      %logistic3A_112 = arith.divf %logistic3A_110, %logistic3A_111 : vector<32x128xf32>
      %slice3A_113 = vector.extract_strided_slice %add3A_106 {offsets = [0, 128], sizes = [32, 128], strides = [1, 1]} : vector<32x512xf32> to vector<32x128xf32>
      %logistic3A_114 = arith.negf %slice3A_113 : vector<32x128xf32>
      %logistic3A_115 = math.exp %logistic3A_114 : vector<32x128xf32>
      %logistic3A_116 = arith.constant 1.000000e+00 : f32
      %logistic3A_117 = vector.broadcast %logistic3A_116 : f32 to vector<32x128xf32>
      %logistic3A_118 = arith.addf %logistic3A_117, %logistic3A_115 : vector<32x128xf32>
      %logistic3A_119 = arith.divf %logistic3A_117, %logistic3A_118 : vector<32x128xf32>
      %slice3A_120 = vector.extract_strided_slice %add3A_106 {offsets = [0, 256], sizes = [32, 128], strides = [1, 1]} : vector<32x512xf32> to vector<32x128xf32>
      %tanh3A_121 = math.tanh %slice3A_120 : vector<32x128xf32>
      %slice3A_122 = vector.extract_strided_slice %add3A_106 {offsets = [0, 384], sizes = [32, 128], strides = [1, 1]} : vector<32x512xf32> to vector<32x128xf32>
      %logistic3A_123 = arith.negf %slice3A_122 : vector<32x128xf32>
      %logistic3A_124 = math.exp %logistic3A_123 : vector<32x128xf32>
      %logistic3A_125 = arith.constant 1.000000e+00 : f32
      %logistic3A_126 = vector.broadcast %logistic3A_125 : f32 to vector<32x128xf32>
      %logistic3A_127 = arith.addf %logistic3A_126, %logistic3A_124 : vector<32x128xf32>
      %logistic3A_128 = arith.divf %logistic3A_126, %logistic3A_127 : vector<32x128xf32>
      %mul3A_129 = arith.mulf %logistic3A_119, %scan3A_98 : vector<32x128xf32>
      %mul3A_130 = arith.mulf %logistic3A_112, %tanh3A_121 : vector<32x128xf32>
      %add3A_131 = arith.addf %mul3A_129, %mul3A_130 : vector<32x128xf32>
      %tanh3A_132 = math.tanh %add3A_131 : vector<32x128xf32>
      %mul3A_133 = arith.mulf %logistic3A_128, %tanh3A_132 : vector<32x128xf32>
      scf.yield %mul3A_133, %add3A_131 : vector<32x128xf32>, vector<32x128xf32>
    }
    %scan3A_68 = arith.constant 50 : i32
    %get3A_69 = arith.constant 0 : index
    %get3A_70 = arith.constant 0 : index
    %get3A_71 = vector.load %arg10[%get3A_69, %get3A_70] : memref<128x34xf32, #tpu.memory_space<vmem>>, vector<128x34xf32>
    %dot_general3A_72 = arith.constant dense<0.000000e+00> : vector<32x34xf32>
    %dot_general3A_73 = tpu.matmul %scan3A_67#0, %get3A_71, %dot_general3A_72 {dimension_numbers = #tpu.dot_dimension_numbers<[1], [0], [0], [1], [0, 0, 1, 1], [], []>, transpose_lhs_hint = false} : vector<32x128xf32>, vector<128x34xf32>, vector<32x34xf32> -> vector<32x34xf32>
    %get3A_74 = arith.constant 0 : index
    %get3A_75 = arith.constant 0 : index
    %get3A_76 = vector.load %arg11[%get3A_74, %get3A_75] : memref<1x34xf32, #tpu.memory_space<vmem>>, vector<1x34xf32>
    %add3A_77 = vector.broadcast %get3A_76 : vector<1x34xf32> to vector<32x34xf32>
    %add3A_78 = arith.addf %dot_general3A_73, %add3A_77 : vector<32x34xf32>
    %slice3A = vector.extract_strided_slice %add3A_78 {offsets = [0, 0], sizes = [32, 32], strides = [1, 1]} : vector<32x34xf32> to vector<32x32xf32>
    %reduce_max3A = arith.constant dense<0xFF800000> : vector<32xf32>
    %reduce_max3A_79 = vector.multi_reduction <maximumf>, %slice3A, %reduce_max3A [1] : vector<32x32xf32> to vector<32xf32>
    %broadcast_in_dim3A_80 = vector.shape_cast %reduce_max3A_79 : vector<32xf32> to vector<32x1xf32>
    %sub3A_81 = vector.broadcast %broadcast_in_dim3A_80 : vector<32x1xf32> to vector<32x32xf32>
    %sub3A_82 = arith.subf %slice3A, %sub3A_81 : vector<32x32xf32>
    %exp3A = math.exp %sub3A_82 : vector<32x32xf32>
    %reduce_sum3A = arith.constant dense<0.000000e+00> : vector<32xf32>
    %reduce_sum3A_83 = vector.multi_reduction <add>, %exp3A, %reduce_sum3A [1] : vector<32x32xf32> to vector<32xf32>
    %broadcast_in_dim3A_84 = vector.shape_cast %reduce_sum3A_83 : vector<32xf32> to vector<32x1xf32>
    %log3A = math.log %broadcast_in_dim3A_84 : vector<32x1xf32>
    %sub3A_85 = vector.broadcast %broadcast_in_dim3A_80 : vector<32x1xf32> to vector<32x32xf32>
    %sub3A_86 = arith.subf %slice3A, %sub3A_85 : vector<32x32xf32>
    %sub3A_87 = vector.broadcast %log3A : vector<32x1xf32> to vector<32x32xf32>
    %sub3A_88 = arith.subf %sub3A_86, %sub3A_87 : vector<32x32xf32>
    %swap3A_89 = arith.constant 0 : index
    %swap3A_90 = arith.constant 0 : index
    %swap3A_91 = vector.load %arg12[%swap3A_89, %swap3A_90] : memref<32x34xf32, #tpu.memory_space<vmem>>, vector<32x32xf32>
    tpu.vector_store %arg12[%swap3A_89, %swap3A_90], %sub3A_88 {strides = array<i32>} : memref<32x34xf32, #tpu.memory_space<vmem>>, vector<32x32xf32>,
    %slice3A_92 = vector.extract_strided_slice %add3A_78 {offsets = [0, 32], sizes = [32, 2], strides = [1, 1]} : vector<32x34xf32> to vector<32x2xf32>
    %swap3A_93 = arith.constant 0 : index
    %swap3A_94 = arith.constant 32 : index
    %swap3A_95 = vector.load %arg12[%swap3A_93, %swap3A_94] : memref<32x34xf32, #tpu.memory_space<vmem>>, vector<32x2xf32>
    tpu.vector_store %arg12[%swap3A_93, %swap3A_94], %slice3A_92 {strides = array<i32>} : memref<32x34xf32, #tpu.memory_space<vmem>>, vector<32x2xf32>,
    return
  }
}

</mosaic_0001>

<sc_bundles>
// kernel: kernel.4.cloned.1.call-start
scs
__scs_entry_jumppad:
0x0: {  	(pc) =	sbr.rel $0x88, $3  }
0x1: {  	(tag) =	ssettag $0x0;
	lr =	simm.s32 $0x1  }
0x2: {  	[smem:$0x3F91] =	sst lr;
	_ =	strace $0xD0000000  }
0x3: {  	_ = 	snop  }
0x4: {  	_ = 	snop  }
0x5: {  	_ = 	snop  }
0x6: {  	_ = 	snop  }
0x7: {  	_ = 	snop  }
__scs_overlays_trampoline_lowered:
0x8: {  	[smem:$0x3FA0] =	sst s0  }
0x9: {  	[smem:$0x3FA1] =	sst s1  }
0xa: {  	[smem:$0x3FA2] =	sst s2  }
0xb: {  	[smem:$0x3FA3] =	sst s3  }
0xc: {  	[smem:$0x3FA4] =	sst s4  }
0xd: {  	[smem:$0x3FA5] =	sst s5  }
0xe: {  	[smem:$0x3FA6] =	sst s6  }
0xf: {  	[smem:$0x3FA7] =	sst s7  }
0x10: {  	[smem:$0x3FA8] =	sst s8  }
0x11: {  	[smem:$0x3FA9] =	sst s9;
	s0 =	simm.s32 @!p0 $0x0  }
0x12: {  	s1 =	sld [smem:$0x3F8F];
	s0 =	simm.s32 @p0 $0x1  }
0x13: {  	[smem:$0x3FAA] =	sst s0;
	s0 =	simm.s32 @!p1 $0x0  }
0x14: {  	s2 =	sld [smem:$0x3F8E];
	s0 =	simm.s32 @p1 $0x1  }
0x15: {  	[smem:$0x3FAB] =	sst s0;
	s0 =	simm.s32 @!p2 $0x0  }
0x16: {  	s3 =	sld [smem:$0x3FDB];
	s0 =	simm.s32 @p2 $0x1  }
0x17: {  	s4 =	simm.s32 $0x1BF5;
	[smem:$0x3FAD] =	sst s0  }
0x18: {  	s0 =	sld [smem:$0x3F90];
	_ =	swait.ge [sflag:s4], $0x0  }
0x19: {  	s7 =	sld [smem:$0x3F91]  }
0x1a: {  	s8 =	sadd.s32 $0xFFFFE003, lr  }
0x1b: {  	s9 =	sadd.s32 $0xFFFFFEF7, lr;
	s5 =	simm.s32 $0xFFFFFFFF;
	p2 =	slt.u32 s8, $0xFFFFF086  }
0x1c: {  	p1 =	slt.u32 s9, $0xF7A;
	s5 =	simm.s32 @!p2 $0x0  }
0x1d: {  	s5 =	simm.s32 @p1 $0x1;
	p0 =	seq.s32 s7, s2  }
0x1e: {  	s7 =	smul.u32 @!p0 $0xF7A, s2;
	p2 =	seq.s32 @!p0 s5, $0x0  }
0x1f: {  	s9 =	smul.u32 $0xF7A, s1;
	s8 =	simm.s32 @!p0 $0x1BF5;
	p2 =	por !p2, p0  }
0x20: {  	[sflag:s8] =	ssyncset.s32 @!p0 $0xFFFFF086;
	s6 =	sadd.s32 @!p0 s3, s7;
	s7 =	simm.s32 @!p0 $0x108  }
0x21: {  	s3 =	sadd.s32 s3, s9;
	s6 =	sadd.s32 @!p0 $0x88, s6;
	s7 =	simm.s32 @p2 $0x1082  }
0x22: {  	[simem:s7], [sflag:s8] =	dma.local @!p0 [hbm:s6], $0xF7A  }
0x23: {  	s9 =	sor.u32 $0xD0000000, s2;
	s6 =	simm.s32 $0x108;
	_ =	swait.ge @!p0 [sflag:s8], $0x0  }
0x24: {  	s3 =	sadd.s32 $0x88, s3;
	s6 =	simm.s32 @!p1 $0x1082;
	[sflag:s4] =	ssyncset.s32 $0xFFFFF086  }
0x25: {  	[simem:s6], [sflag:s4] =	dma.local [hbm:s3], $0xF7A  }
0x26: {  	[smem:$0x3F91] =	sst s1;
	(tag) =	ssettag s2;
	_ =	strace s9  }
0x27: {  	s1 =	sld [smem:$0x3FA1]  }
0x28: {  	s2 =	sld [smem:$0x3FA2]  }
0x29: {  	s4 =	sld [smem:$0x3FA4]  }
0x2a: {  	p0 =	seq.s32 s5, $0x0;
	s5 =	sld [smem:$0x3FA5]  }
0x2b: {  	s6 =	sld [smem:$0x3FA6]  }
0x2c: {  	s7 =	sld [smem:$0x3FA7]  }
0x2d: {  	s3 =	simm.s32 $0x108;
	s8 =	sld [smem:$0x3FA8]  }
0x2e: {  	s3 =	simm.s32 @!p0 $0x1082;
	s9 =	sld [smem:$0x3FA9]  }
0x2f: {  	lr =	sadd.s32 s0, s3;
	s0 =	sld [smem:$0x3FA0]  }
0x30: {  	s3 =	sld [smem:$0x3FA3]  }
0x31: {  	[smem:$0x3FAC] =	sst s10  }
0x32: {  	s10 =	sld [smem:$0x3FAA];
	_ =	sdelay $0x3  }
0x33: {  	p0 =	seq.s32 s10, $0x1;
	s10 =	sld [smem:$0x3FAC];
	_ =	sdelay $0x3  }
0x34: {  	[smem:$0x3FAC] =	sst s10  }
0x35: {  	s10 =	sld [smem:$0x3FAB];
	_ =	sdelay $0x3  }
0x36: {  	p1 =	seq.s32 s10, $0x1;
	s10 =	sld [smem:$0x3FAC];
	_ =	sdelay $0x3  }
0x37: {  	[smem:$0x3FAC] =	sst s10  }
0x38: {  	s10 =	sld [smem:$0x3FAD]  }
0x39: {  	_ = 	snop;
	(pc) =	sbr.ind lr, $3  }
0x3a: {  	_ = 	snop  }
0x3b: {  	_ = 	snop  }
0x3c: {  	p2 =	seq.s32 s10, $0x1;
	s10 =	sld [smem:$0x3FAC]  }
0x3d: {  	_ =	shalt  }
0x3e: {  	_ =	shalt  }
0x3f: {  	_ =	shalt  }
0x40: {  	_ =	shalt  }
0x41: {  	_ =	shalt  }
0x42: {  	_ =	shalt  }
0x43: {  	_ =	shalt  }
0x44: {  	_ =	shalt  }
0x45: {  	_ =	shalt  }
0x46: {  	_ =	shalt  }
0x47: {  	_ =	shalt  }
0x48: {  	_ =	shalt  }
0x49: {  	_ =	shalt  }
0x4a: {  	_ =	shalt  }
0x4b: {  	_ =	shalt  }
0x4c: {  	_ =	shalt  }
0x4d: {  	_ =	shalt  }
0x4e: {  	_ =	shalt  }
0x4f: {  	_ =	shalt  }
0x50: {  	_ =	shalt  }
0x51: {  	_ =	shalt  }
0x52: {  	_ =	shalt  }
0x53: {  	_ =	shalt  }
0x54: {  	_ =	shalt  }
0x55: {  	_ =	shalt  }
0x56: {  	_ =	shalt  }
0x57: {  	_ =	shalt  }
0x58: {  	_ =	shalt  }
0x59: {  	_ =	shalt  }
0x5a: {  	_ =	shalt  }
0x5b: {  	_ =	shalt  }
0x5c: {  	_ =	shalt  }
0x5d: {  	_ =	shalt  }
0x5e: {  	_ =	shalt  }
0x5f: {  	_ =	shalt  }
0x60: {  	_ =	shalt  }
0x61: {  	_ =	shalt  }
0x62: {  	_ =	shalt  }
0x63: {  	_ =	shalt  }
0x64: {  	_ =	shalt  }
0x65: {  	_ =	shalt  }
0x66: {  	_ =	shalt  }
0x67: {  	_ =	shalt  }
0x68: {  	_ =	shalt  }
0x69: {  	_ =	shalt  }
0x6a: {  	_ =	shalt  }
0x6b: {  	_ =	shalt  }
0x6c: {  	_ =	shalt  }
0x6d: {  	_ =	shalt  }
0x6e: {  	_ =	shalt  }
0x6f: {  	_ =	shalt  }
0x70: {  	_ =	shalt  }
0x71: {  	_ =	shalt  }
0x72: {  	_ =	shalt  }
0x73: {  	_ =	shalt  }
0x74: {  	_ =	shalt  }
0x75: {  	_ =	shalt  }
0x76: {  	_ =	shalt  }
0x77: {  	_ =	shalt  }
0x78: {  	_ =	shalt  }
0x79: {  	_ =	shalt  }
0x7a: {  	_ =	shalt  }
0x7b: {  	_ =	shalt  }
0x7c: {  	_ =	shalt  }
0x7d: {  	_ =	shalt  }
0x7e: {  	_ =	shalt  }
0x7f: {  	_ =	shalt  }
0x80: {  	_ =	shalt  }
0x81: {  	_ =	shalt  }
0x82: {  	_ =	shalt  }
0x83: {  	_ =	shalt  }
0x84: {  	_ =	shalt  }
0x85: {  	_ =	shalt  }
0x86: {  	_ =	shalt  }
0x87: {  	_ =	shalt  }
.Lfunc_end0:
.L_simem_size_0:
called_computation_lowered:
.L_overlay_start_0:
0x88: {  	s2 =	sld [smem:$0x3FD9]  }
0x89: {  	s3 =	sld [smem:$0x3FFE];
	_ =	sdelay $0x1  }
0x8a: {  	s1 =	srdreg.scid  }
0x8b: {  	s0 =	sand.u32 $0x1, s1  }
0x8c: {  	s14 =	sshll.u32 s0, $0xA;
	s2 =	sadd.s32 s3, s2  }
0x8d: {  	s2 =	sadd.s32 s2, s14  }
0x8e: {  	[smem:$0x3FB8] =	sst s2  }
0x8f: {  	_ = 	snop  }
0x90: {  	s2 =	sld [smem:$0x3FD0];
	_ =	sdelay $0x2  }
0x91: {  	s4 =	simm.s32 $0xA;
	s5 =	simm.s32 $0x10;
	s15 =	sld [smem:$0x3FBA]  }
0x92: {  	[smem:s5], [sflag:s4] =	dma.local [hbm:s2], $0x1  }
0x93: {  	_ =	swait.eq [sflag:s4], $0x1  }
0x94: {  	[sflag:s4] =	ssyncset.done $0x0  }
0x95: {  	[sflag:s4] =	ssyncadd.s32 $0xFFFFFFFF  }
0x96: {  	s16 =	sld [smem:$0x10];
	(tm) =	ssettm $0x1  }
0x97: {  	s17 =	sld [smem:$0x3FFB];
	_ =	sdelay $0x3  }
0x98: {  	_ =	strace s17  }
0x99: {  	s4 =	sld [smem:$0x3FFC];
	_ =	sdelay $0x3  }
0x9a: {  	_ =	strace s4  }
0x9b: {  	s4 =	sld [smem:$0x3FFD];
	_ =	sdelay $0x3  }
0x9c: {  	_ =	strace s4  }
0x9d: {  	_ =	strace $0x8FFFFFFF  }
0x9e: {  	s18 =	sld [smem:$0x3FDB];
	_ =	sdelay $0x1  }
0x9f: {  	s19 =	simm.s32 $_scs_section_size  }
0xa0: {  	s6 =	simm.s32 $_size__tile_overlayer_lowered;
	s7 =	simm.s32 $_tile_overlayer_lowered  }
0xa1: {  	s22 =	simm.s32 $0x1BFF;
	s21 =	sshll.u32 s7, $0x1;
	s4 =	sadd.s32 s19, s18  }
0xa2: {  	s8 =	simm.s32 $0x0;
	s20 =	sshll.u32 s6, $0x1;
	s6 =	sadd.s32 s21, s4  }
0xa3: {  	[timem:s8], [sflag:s22] =	dma.local [hbm:s6], s20  }
0xa4: {  	_ =	swait.ge [sflag:s22], s20  }
0xa5: {  	s5 =	ssub.s32 $0x0, s20;
	[sflag:s22] =	ssyncset.done $0x0  }
0xa6: {  	[sflag:s22] =	ssyncadd.s32 s5;
	_ =	sdelay $0x1  }
0xa7: {  	s23 =	simm.s32 $0x1B8B  }
0xa8: {  	_ =	swait.ge [sflag:s23], $0x1  }
0xa9: {  	[sflag:s23] =	ssyncset.done $0x0  }
0xaa: {  	s25 =	simm.s32 $0x1B8E;
	s24 =	sld [smem:$0x3FFE];
	[sflag:s23] =	ssyncadd.s32 $0xFFFFFFFF  }
0xab: {  	s26 =	simm.s32 $execute0_lowered;
	[smem:$0x3FD2] =	sst s25  }
0xac: {  	s6 =	sshll.u32 s26, $0x1;
	_ =	strace $0x80000046;
	[dreg:$0x1] =	wrdreg $0xFFFFFFFF  }
0xad: {  	s28 =	simm.s32 $_size_execute0_lowered;
	s4 =	sadd.s32 s4, s6;
	[dreg:$0x0] =	wrdreg $0x0  }
0xae: {  	s6 =	sshll.u32 s28, $0x1;
	[dreg:$0x2] =	wrdreg s4  }
0xaf: {  	[dreg:$0x3] =	wrdreg s6  }
0xb0: {  	[dreg:$0x4] =	wrdreg $0xC0  }
0xb1: {  	_ =	task [dreg:s8], $0x5FFFF  }
0xb2: {  	[dreg:$0x1] =	wrdreg $0xFFFFFFFF  }
0xb3: {  	[dreg:$0x0] =	wrdreg $0x60  }
0xb4: {  	[dreg:$0x2] =	wrdreg s15  }
0xb5: {  	[dreg:$0x3] =	wrdreg s16  }
0xb6: {  	[dreg:$0x4] =	wrdreg s24  }
0xb7: {  	[dreg:$0x5] =	wrdreg $0x2C780  }
0xb8: {  	[dreg:$0x6] =	wrdreg $0x2A000  }
0xb9: {  	[dreg:$0x7] =	wrdreg $0x9  }
0xba: {  	_ =	task.clear_ibuf [dreg:s8], $0x8FFFF;
	_ =	strace $0x90000046  }
0xbb: {  	s29 =	simm.s32 $0x9;
	_ =	strace $0x80000048  }
0xbc: {  	_ =	swait.ge [sflag:s29], $0x1  }
0xbd: {  	[sflag:s29] =	ssyncadd.s32 $0xFFFFFFFF  }
0xbe: {  	_ =	strace $0x90000048  }
0xbf: {  	_ =	sfence  }
0xc0: {  	s30 =	sld [smem:$0x0];
	_ =	sdelay $0x2  }
0xc1: {  	s31 =	sshll.u32 s1, $0xD;
	s1 =	sshrl.u32 s1, $0x2  }
0xc2: {  	s3 =	sand.u32 $0x4000, s31;
	s1 =	sadd.s32 s1, s30  }
0xc3: {  	s0 =	sor.u32 s3, s0;
	s1 =	sshll.u32 s1, $0x11  }
0xc4: {  	s0 =	sor.u32 s1, s0  }
0xc5: {  	s0 =	sadd.s32 $0x8F2B, s0  }
0xc6: {  	[sflag:s0] =	ssyncadd.remote.s32 $0x1  }
0xc7: {  	_ =	sfence.sel $0xFFFF  }
0xc8: {  	[dreg:$0x0] =	wrdreg $0xFFFFFFFF;
	(pc) =	sbr.abs _section_cstart, $3  }
0xc9: {  	[dreg:$0x1] =	wrdreg $0xFFFFFFFF  }
0xca: {  	_ =	task.clear_ibuf [dreg:s8], $0x2FFFF;
	_ =	strace $0x9FFFFFFF  }
0xcb: {  	(tm) =	ssettm $0x7FFFFFFF  }
tec
execute0_lowered:
.L_overlay_start_1:
0x0: {  	(tag) =	ssettag $0x1  }
0x1: {  	s8 =	rddreg [dreg:$0x0]  }
0x2: {  	s9 =	rddreg [dreg:$0x1]  }
0x3: {  	s5 =	rddreg [dreg:$0x2]  }
0x4: {  	s2 =	rddreg [dreg:$0x3]  }
0x5: {  	s1 =	srdreg.scid;
	s0 =	stileid.u32  }
0x6: {  	s3 =	rddreg [dreg:$0x4];
	s4 =	simm.s32 $0x0;
	s15 =	simm.s32 $0x10  }
0x7: {  	s16 =	simm.s32 $0x20;
	s17 =	simm.s32 $0x3;
	s18 =	simm.s32 $0x280  }
0x8: {  	s20 =	simm.s32 $0x190;
	s21 =	simm.s32 $0x700;
	s22 =	simm.s32 $0x0  }
0x9: {  	s6 =	sand.u32 $0x1, s1;
	s7 =	smul.u32 $0x3E800, s0;
	s1 =	rddreg [dreg:$0x5]  }
0xa: {  	[smem:$0x7FF] =	sst s4;
	s13 =	smul.u32 $0x7D000, s0;
	s28 =	sshll.u32 s0, $0x1  }
0xb: {  	s31 =	sshll.u32 s0, $0x6;
	p0 =	sgt.u32 s0, $0x9;
	p2 =	seq.s32 s0, $0xF  }
0xc: {  	s10 =	sshll.u32 s6, $0x7;
	_ =	strace $0x80000047;
	s26 =	ssub.s32 $0x2, s6  }
0xd: {  	s11 =	sshll.u32 s6, $0x4;
	s19 =	sor.u32 s6, s28;
	s6 =	sadd.s32 $0x4B0, s8  }
0xe: {  	s7 =	sor.u32 s10, s7;
	s12 =	sshrl.u32 s26, $0x1;
	s11 =	sadd.s32 s11, s5  }
0xf: {  	s13 =	sshrl.u32 s13, $0x2;
	s14 =	sshll.u32 s19, $0xB;
	s30 =	sshll.u32 s19, $0x3  }
0x10: {  	p1 =	sgt.u32 s19, $0x18;
	s19 =	simm.s32 $0x500;
	s7 =	sshrl.u32 s7, $0x3  }
.Ltmp0:
0x11: {  	s12 =	ssub.s32 s26, s12;
	s13 =	sadd.s32 s13, s2;
	(pc) =	sbr.rel .LBB2_1-.Ltmp0, $4  }
0x12: {  	s11 =	sadd.s32 s14, s11;
	s7 =	sadd.s32 s7, s5;
	s5 =	smul.u32 $0x280, s0  }
0x13: {  	s9 =	sadd.s32 s9, s30;
	s14 =	simm.s32 $0x1;
	s10 =	sadd.s32 $0x50800, s11  }
0x14: {  	v0 =	vlaneseq.u32;
	s11 =	smax.u32 s12, $0x1;
	s12 =	sor.u32 $0x1C02, s31;
	s29 =	sshrl.u32 s5, $0x3  }
0x15: {  	v1 =	vor.u32 $0x2700, v0;
	s13 =	sshrl.u32 s13, $0x3;
	s7 =	sadd.s32 $0x2600, s7;
	s8 =	sadd.s32 s8, s29  }
.LBB2_9:
0x16: {  	[tilespmem:s23+$0x0] =	vst v4  }
0x17: {  	[tilespmem:s23+$0xFFFFFFF0] =	vst v3  }
0x18: {  	[tilespmem:s23+$0xFFFFFFE0] =	vst v2  }
0x19: {  	[tilespmem:$0x880] =	vst v1  }
0x1a: {  	[spmem:s3] =	stream.indirect.scatter [tilespmem:s21], [sflag:$0x3], $0x1, s19, s20, $0xb8;
	[tilespmem:$0xC8B8] =	vst v63  }
0x1b: {  	_ =	swait.ge [sflag:s17], $0x190  }
0x1c: {  	[sflag:s17] =	ssyncset.done $0x0  }
0x1d: {  	[sflag:s17] =	ssyncadd.s32 $0xFFFFFE70  }
.LBB2_10:
0x1e: {  	s23 =	simm.s32 @!p1 $0x0;
	s24 =	simm.s32 @!p1 $0x900  }
0x1f: {  	[tilespmem:s24], [sflag:$0x3] =	stream.linear.gather @!p1 [hbm4b:s9+s23], $0x40, $0x38;
	[tilespmem:$0xC8B8] =	vst v63  }
0x20: {  	s23 =	simm.s32 @!p1 $0x3  }
0x21: {  	_ =	swait.ge @!p1 [sflag:s23], $0x40  }
0x22: {  	[sflag:s23] =	ssyncset.done @!p1 $0x0  }
0x23: {  	s25 =	simm.s32 @!p0 $0x2;
	[sflag:s23] =	ssyncadd.s32 @!p1 $0xFFFFFFC0  }
0x24: {  	_ =	swait.ge @!p0 [sflag:s25], $0x3E80  }
0x25: {  	[sflag:s25] =	ssyncset.done @!p0 $0x0  }
0x26: {  	[sflag:s25] =	ssyncadd.s32 @!p0 $0xFFFFC180  }
0x27: {  	s26 =	simm.s32 @!p1 $0x980;
	s25 =	simm.s32 @!p1 $0x40;
	[bflag:$0x0] =	sbarrier.arrive $0xFFFF  }
0x28: {  	[tilespmem:s26], [sflag:$0x3] =	stream.indirect.gather @!p1 [spmem:s3], $0x1, s24, s25, $0xb8;
	[tilespmem:$0xC8B8] =	vst v63  }
0x29: {  	_ =	swait.ge @!p1 [sflag:s23], $0x40  }
0x2a: {  	[sflag:s23] =	ssyncset.done @!p1 $0x0  }
0x2b: {  	s24 =	simm.s32 @!p1 $0xA00;
	[sflag:s23] =	ssyncadd.s32 @!p1 $0xFFFFFFC0  }
0x2c: {  	[tilespmem:s24], [sflag:$0x1] =	stream.indirect.gather @!p1 [spmem:s2], $0x40, s26, s25, $0xb8;
	[tilespmem:$0xC8B8] =	vst v63  }
0x2d: {  	s25 =	simm.s32 @!p1 $0x1  }
0x2e: {  	s22 =	sadd.s32 $0x1, s22;
	_ =	swait.ge @!p1 [sflag:s25], $0x1000  }
0x2f: {  	p3 =	sne.s32 s22, s11;
	s26 =	simm.s32 @!p1 $0x100;
	[sflag:s25] =	ssyncset.done @!p1 $0x0  }
.Ltmp1:
0x30: {  	[sflag:s25] =	ssyncadd.s32 @!p1 $0xFFFFF000;
	s25 =	simm.s32 @!p1 $0x80;
	(pc) =	sbr.rel @!p3 .LBB2_11-.Ltmp1, $4  }
0x31: {  	[hbm4b:s10+s25] =	stream.strided.scatter @!p1 [tilespmem:s24], [sflag:$0x3], $0x2000, s26, s25, $0x38;
	[tilespmem:$0xC8B8] =	vst v63  }
0x32: {  	_ =	swait.ge @!p1 [sflag:s23], $0x2000  }
0x33: {  	[sflag:s23] =	ssyncset.done @!p1 $0x0  }
0x34: {  	[sflag:s23] =	ssyncadd.s32 @!p1 $0xFFFFE000  }
.LBB2_1:
.Ltmp2:
0x35: {  	(pc) =	sbr.rel @p0 .LBB2_3-.Ltmp2, $1  }
0x36: {  	_ =	sdelay $0x3  }
.Ltmp3:
0x37: {  	(pc) =	sbr.rel .LBB2_4-.Ltmp3, $2  }
0x38: {  	_ =	sdelay $0x2  }
0x39: {  	[spmem:s13@s15], [sflag:s12] =	dma.strided [hbm:s7@s16], $0x3E80, s14, $0x10   }
.LBB2_3:
.Ltmp4:
0x3a: {  	(pc) =	sbr.rel @!p2 .LBB2_4-.Ltmp4, $1  }
0x3b: {  	_ =	sdelay $0x3  }
0x3c: {  	[tilespmem:s19], [sflag:$0x3] =	stream.linear.gather [hbm4b:s6+s4], $0x190, $0x38;
	[tilespmem:$0xC8B8] =	vst v63  }
0x3d: {  	s24 =	simm.s32 $0x25B0;
	_ =	swait.ge [sflag:s17], $0x190  }
0x3e: {  	s23 =	simm.s32 $0x720;
	s26 =	simm.s32 $0x2580;
	[sflag:s17] =	ssyncset.done $0x0  }
0x3f: {  	s28 =	simm.s32 $0x2590;
	s29 =	simm.s32 $0x25A0;
	v5 =	vor.u32 s24, v0;
	[sflag:s17] =	ssyncadd.s32 $0xFFFFFE70  }
0x40: {  	s25 =	simm.s32 $0x0;
	v2 =	vor.u32 s26, v0;
	v3 =	vor.u32 s28, v0;
	v4 =	vor.u32 s29, v0;
	s26 =	simm.s32 $0x720;
	[tilespmem:s23+$0x10] =	vst v5  }
.LBB2_8:
0x41: {  	s25 =	sadd.s32 $0x4, s25  }
0x42: {  	[tilespmem:s23+$0x0] =	vst v4;
	s24 =	sadd.s32 $0x40, s24;
	s26 =	sadd.s32 $0x40, s26;
	p3 =	slt.u32 s25, $0x14  }
.Ltmp5:
0x43: {  	[tilespmem:s23+$0xFFFFFFF0] =	vst v3;
	(pc) =	sbr.rel @p3 .LBB2_8-.Ltmp5, $3  }
0x44: {  	[tilespmem:s23+$0xFFFFFFE0] =	vst v2;
	s23 =	smov.u32 s26;
	_ =	sdelay $0x1  }
0x45: {  	s28 =	sadd.s32 $0xFFFFFFD0, s24;
	s29 =	sadd.s32 $0xFFFFFFE0, s24;
	s30 =	sadd.s32 $0xFFFFFFF0, s24;
	v5 =	vor.u32 s24, v0  }
0x46: {  	v2 =	vor.u32 s28, v0;
	v3 =	vor.u32 s29, v0;
	v4 =	vor.u32 s30, v0;
	[tilespmem:s26+$0x10] =	vst v5  }
.Ltmp6:
0x47: {  	_ = 	snop;
	(pc) =	sbr.rel .LBB2_9-.Ltmp6, $1  }
0x48: {  	_ =	sdelay $0x3  }
.LBB2_4:
0x49: {  	[tilespmem:s4], [sflag:$0x3] =	stream.linear.gather [hbm4b:s8+s4], $0x280, $0x38;
	[tilespmem:$0xC8B8] =	vst v63  }
0x4a: {  	_ =	swait.ge [sflag:s17], $0x280  }
0x4b: {  	s23 =	simm.s32 $0x2A0;
	s25 =	sadd.s32 $0x10, s5;
	[sflag:s17] =	ssyncset.done $0x0  }
0x4c: {  	v2 =	vor.u32 s5, v0;
	s26 =	sadd.s32 $0x20, s5;
	s28 =	sadd.s32 $0x30, s5;
	[sflag:s17] =	ssyncadd.s32 $0xFFFFFD80  }
0x4d: {  	s24 =	simm.s32 $0x0;
	v3 =	vor.u32 s25, v0;
	v4 =	vor.u32 s28, v0;
	s25 =	smov.u32 s5;
	[tilespmem:s23+$0xFFFFFFE0] =	vst v2;
	v2 =	vor.u32 s26, v0;
	s26 =	simm.s32 $0x2A0  }
.LBB2_5:
0x4e: {  	s24 =	sadd.s32 $0x4, s24  }
0x4f: {  	[tilespmem:s23+$0x10] =	vst v4;
	s25 =	sadd.s32 $0x40, s25;
	s26 =	sadd.s32 $0x40, s26;
	p3 =	slt.u32 s24, $0x24  }
.Ltmp7:
0x50: {  	[tilespmem:s23+$0xFFFFFFF0] =	vst v3;
	(pc) =	sbr.rel @p3 .LBB2_5-.Ltmp7, $3  }
0x51: {  	[tilespmem:s23+$0x0] =	vst v2;
	s23 =	smov.u32 s26;
	_ =	sdelay $0x1  }
0x52: {  	s28 =	sadd.s32 $0x10, s25;
	s29 =	sadd.s32 $0x20, s25;
	s30 =	sadd.s32 $0x30, s25;
	v2 =	vor.u32 s25, v0  }
0x53: {  	v3 =	vor.u32 s28, v0;
	v4 =	vor.u32 s30, v0;
	[tilespmem:s26+$0xFFFFFFE0] =	vst v2;
	v2 =	vor.u32 s29, v0  }
0x54: {  	[tilespmem:s23+$0x10] =	vst v4  }
0x55: {  	[tilespmem:s23+$0xFFFFFFF0] =	vst v3  }
.Ltmp8:
0x56: {  	[tilespmem:s23+$0x0] =	vst v2;
	(pc) =	sbr.rel .LBB2_10-.Ltmp8, $4  }
0x57: {  	[spmem:s3] =	stream.indirect.scatter [tilespmem:s18], [sflag:$0x3], $0x1, s4, s18, $0xb8;
	[tilespmem:$0xC8B8] =	vst v63  }
0x58: {  	_ =	swait.ge [sflag:s17], $0x280  }
0x59: {  	[sflag:s17] =	ssyncset.done $0x0  }
0x5a: {  	[sflag:s17] =	ssyncadd.s32 $0xFFFFFD80  }
.LBB2_11:
0x5b: {  	_ =	sfence.sel $0x180000  }
0x5c: {  	[bflag:$0x0] =	sbarrier.arrive $0xFFFF  }
0x5d: {  	p0 =	sne.s32 s0, $0x0;
	_ =	strace $0x90000047  }
0x5e: {  	s0 =	sadd.s32 @!p0 $0x100000, s1;
	[bflag:$0x2] =	sbarrier.arrive $0xFFFF  }
0x5f: {  	[sflag:s0] =	ssyncadd.tile.s32 @!p0 $0x1;
	_ =	shalt  }
.Lfunc_end2:
_tile_overlayer_lowered:
.L_overlay_start_2:
0x60: {  	(tag) =	ssettag $0x2  }
0x61: {  	s0 =	rddreg [dreg:$0x0];
	s2 =	stileid.u32  }
0x62: {  	s1 =	rddreg [dreg:$0x1];
	p0 =	sne.s32 s2, $0x0  }
0x63: {  	s3 =	rddreg [dreg:$0x2];
	[bflag:$0x3] =	sbarrier.arrive $0xFFFF;
	s2 =	simm.s32 @!p0 $0x1C03  }
0x64: {  	[timem:s3], [sflag:s2] =	dma.local @!p0 [hbm:s0], s1  }
0x65: {  	s0 =	simm.s32 @!p0 $0x3  }
0x66: {  	_ =	swait.ge @!p0 [sflag:s0], s1  }
0x67: {  	s1 =	ssub.s32 @!p0 $0x0, s1;
	[sflag:s0] =	ssyncset.done @!p0 $0x0  }
0x68: {  	[sflag:s0] =	ssyncadd.s32 @!p0 s1  }
0x69: {  	[bflag:$0x3] =	sbarrier.arrive $0xFFFF  }
0x6a: {  	_ =	shalt  }

</sc_bundles>
